<compile_context>
chip_gen: v7x
topology: tpu7x:2x2x1
jax: 0.10.2.dev20260603
libtpu: 0.0.44.dev20260713+nightly
codegen_flags: <defaults>
</compile_context>

<pallas_src>
import jax
import jax.numpy as jnp
from jax import lax
from jax.experimental import pallas as pl
from jax.experimental.pallas import tpu as pltpu
from jax.experimental.pallas import tpu_sc as plsc

N_FIELDS = 26
VOCAB = 100000
DIM = 10
DIMP = 16
BATCH = 16384

NC = 2
NS = 16
L = 16
NW = NC * NS

ROWS_PER_W = BATCH * N_FIELDS // NW
G = 128
NG = ROWS_PER_W // G
VECS_PER_ROW = G // L

TAB_ROWS = N_FIELDS * VOCAB * DIM // DIMP
SLAB = N_FIELDS * VOCAB // DIMP

FIELD_STEP = (L % N_FIELDS) * VOCAB
FIELD_WRAP = N_FIELDS * VOCAB


def _body(idx_hbm, tab_hbm, out_hbm, idx_v, q_v, rows_v, out_v, gsem0,
          gsem1, gsem2, gsem3, osem0, osem1, osem2, osem3):
    wid = lax.axis_index("s") * NC + lax.axis_index("c")
    row0 = wid * ROWS_PER_W

    pltpu.sync_copy(idx_hbm.at[pl.ds(wid * NG, NG)], idx_v)

    foff0 = jax.lax.iota(jnp.int32, L) * VOCAB

    def idx_row(j, foff):
        for t in range(VECS_PER_ROW):
            sl = pl.ds(t * L, L)
            idx_v[j, sl] = idx_v[j, sl] + foff
            nxt = foff + FIELD_STEP
            foff = jnp.where(nxt >= FIELD_WRAP, nxt - FIELD_WRAP, nxt)
        return foff

    lax.fori_loop(0, NG, idx_row, foff0)

    gsems = (gsem0, gsem1, gsem2, gsem3)
    osems = (osem0, osem1, osem2, osem3)
    iota = jax.lax.iota(jnp.int32, L)

    def build_q(g, slot):
        for t in range(VECS_PER_ROW):
            sl = pl.ds(t * L, L)
            hi = jax.lax.shift_right_logical(idx_v[g, sl], 4)
            for k in range(DIM):
                q_v[slot, k, sl] = hi + (k * SLAB)

    def fire(g, slot):
        for k in range(DIM):
            pltpu.make_async_copy(
                tab_hbm.at[q_v.at[slot, k]],
                rows_v.at[slot, k],
                gsems[slot],
            ).start()

    def drain(slot):
        for k in range(DIM):
            pltpu.make_async_copy(
                tab_hbm.at[q_v.at[slot, k]],
                rows_v.at[slot, k],
                gsems[slot],
            ).wait()

    def reassemble(g, slot):
        for t in range(VECS_PER_ROW):
            sl = pl.ds(t * L, L)
            lo = jax.lax.bitwise_and(idx_v[g, sl], 15)
            jv = iota + (t * L)
            jd = jv * DIM
            for k in range(DIM):
                kv = jnp.full((L,), k, jnp.int32)
                vals = plsc.load_gather(rows_v.at[slot], [kv, jv, lo])
                plsc.store_scatter(out_v.at[slot], [jd + k], vals)

    def out_desc(g, slot):
        return pltpu.make_async_copy(
            out_v.at[slot],
            out_hbm.at[pl.ds((row0 + g * G) * DIM, G * DIM)],
            osems[slot])

    NSLOT = 4
    for s in range(NSLOT):
        build_q(s, s)
        fire(s, s)

    def step(j, _):
        g0 = NSLOT * j

        @pl.when(j > 0)
        def _():
            for s in range(NSLOT):
                out_desc(g0, s).wait()

        for s in range(NSLOT):
            g = g0 + s
            drain(s)
            reassemble(g, s)
            out_desc(g, s).start()
            build_q(g + NSLOT, s)
            fire(g + NSLOT, s)
        return 0

    lax.fori_loop(0, NG // NSLOT - 1, step, 0)
    for s in range(NSLOT):
        g = NG - NSLOT + s
        out_desc(g, s).wait()
        drain(s)
        reassemble(g, s)
        out_desc(g, s).start()
    for s in range(NSLOT):
        out_desc(NG - NSLOT + s, s).wait()


def _detile_body(tab_hbm, out_hbm, buf_v, ksem):
    wid = lax.axis_index("s") * NC + lax.axis_index("c")
    nlines = jnp.where(wid < 4, 9, 8)
    base = jnp.where(wid < 4, wid * 9, 36 + (wid - 4) * 8)

    def line(i, _):
        u = base + i
        k = u // N_FIELDS
        f = u % N_FIELDS
        pltpu.make_async_copy(tab_hbm.at[k, f], buf_v, ksem).start()
        pltpu.make_async_copy(tab_hbm.at[k, f], buf_v, ksem).wait()
        pltpu.sync_copy(
            buf_v,
            out_hbm.at[pl.ds(k * (N_FIELDS * VOCAB) + f * VOCAB, VOCAB)])
        return 0

    lax.fori_loop(0, nlines, line, 0)


@jax.jit
def _detile(tab_t):
    run = pl.kernel(
        _detile_body,
        out_type=jax.ShapeDtypeStruct((N_FIELDS * VOCAB * DIM,),
                                      jnp.float32),
        mesh=plsc.VectorSubcoreMesh(
            core_axis_name="c", subcore_axis_name="s",
            num_cores=NC, num_subcores=NS,
        ),
        scratch_types=[
            pltpu.VMEM((VOCAB,), jnp.float32),
            pltpu.SemaphoreType.DMA,
        ],
        compiler_params=pltpu.CompilerParams(use_tc_tiling_on_sc=True),
    )
    return run(tab_t)


@jax.jit
def _group_embed(idx_flat, tab_kmaj):
    run = pl.kernel(
        _body,
        out_type=jax.ShapeDtypeStruct((BATCH * N_FIELDS * DIM,),
                                      jnp.float32),
        mesh=plsc.VectorSubcoreMesh(
            core_axis_name="c", subcore_axis_name="s",
            num_cores=NC, num_subcores=NS,
        ),
        scratch_types=[
            pltpu.VMEM((NG, G), jnp.int32),
            pltpu.VMEM((4, DIM, G), jnp.int32),
            pltpu.VMEM((4, DIM, G, DIMP), jnp.float32),
            pltpu.VMEM((4, G * DIM), jnp.float32),
            pltpu.SemaphoreType.DMA,
            pltpu.SemaphoreType.DMA,
            pltpu.SemaphoreType.DMA,
            pltpu.SemaphoreType.DMA,
            pltpu.SemaphoreType.DMA,
            pltpu.SemaphoreType.DMA,
            pltpu.SemaphoreType.DMA,
            pltpu.SemaphoreType.DMA,
        ],
        compiler_params=pltpu.CompilerParams(
            use_tc_tiling_on_sc=False, needs_layout_passes=False),
    )
    return run(idx_flat, tab_kmaj)


def kernel(indices, tables):
    idx_flat = indices.reshape(BATCH * N_FIELDS // G, G)
    tab_kmaj = _detile(tables.transpose(2, 0, 1)).reshape(TAB_ROWS, DIMP)
    out = _group_embed(idx_flat, tab_kmaj)
    return out.reshape(BATCH, N_FIELDS * DIM)

# --- scband reference (transcript-rebuilt; emitter-appended) ---
"""Pipeline reference for scband-group-embedding-88940182765745 (READ-ONLY COPY).

The authoritative reference and input builder live on the scoring server;
editing this copy changes nothing except your own understanding.
"""

import jax, jax.numpy as jnp
import numpy as np

N_FIELDS = 26
VOCAB = 100000
DIM = 10
BATCH = 16384


def setup_inputs(seed: int = 0) -> dict:
    key = jax.random.key(seed)
    k1, k2 = jax.random.split(key)
    # Per-field categorical indices (the torch module maps strings -> indices per column;
    # here we pre-map to integer indices, one column per sparse field).
    indices = jax.random.randint(k1, (BATCH, N_FIELDS), 0, VOCAB, dtype=jnp.int32)
    # 26 embedding tables of shape [VOCAB, DIM], stacked: [N_FIELDS, VOCAB, DIM]
    tables = jax.random.normal(k2, (N_FIELDS, VOCAB, DIM), dtype=jnp.float32) * 0.02
    return {"indices": indices, "tables": tables}


def reference(indices, tables):
    # For each field f, gather tables[f, indices[:, f]] -> [BATCH, N_FIELDS, DIM]
    field_ids = jnp.arange(N_FIELDS, dtype=jnp.int32)[None, :]  # [1, N_FIELDS]
    gathered = tables[field_ids, indices]  # [BATCH, N_FIELDS, DIM]
    # Concatenate per-column embeddings along feature axis (torch.cat(..., axis=1))
    return gathered.reshape(indices.shape[0], N_FIELDS * DIM)

if __name__ == "__main__":
    import jax
    _d = setup_inputs()
    print(jax.jit(kernel)(*tuple(_d.values())))

</pallas_src>

<mosaic_0001>
#map = affine_map<(d0, d1) -> (0, 0, 0)>
#map1 = affine_map<(d0, d1) -> (0)>
module attributes {stable_mosaic.version = 14 : i64} {
  func.func @_detile_body(%arg0: i32, %arg1: i32, %arg2: memref<10x26x100000xf32, #tpu.memory_space<hbm>>, %arg3: memref<26000000xf32, #tpu.memory_space<hbm>>, %arg4: memref<100000xf32, #tpu.memory_space<vmem>>, %arg5: memref<!tpu.dma_semaphore, #tpu.memory_space<semaphore_mem>>) attributes {dimension_semantics = [#tpu.dimension_semantics<core_parallel>, #tpu.dimension_semantics<subcore_parallel>], iteration_bounds = array<i64: 2, 16>, scalar_prefetch = 0 : i64, scratch_operands = 2 : i64, tpu.core_type = #tpu.core_type<sc_vector_subcore>, window_params = [{transform_indices = #map}, {transform_indices = #map1}]} {
    %mul3A = arith.constant 2 : i32
    %mul3A_0 = arith.muli %arg1, %mul3A : i32
    %add3A = arith.addi %mul3A_0, %arg0 : i32
    %lt3A = arith.constant 4 : i32
    %lt3A_1 = arith.cmpi slt, %add3A, %lt3A : i32
    %jit3A = arith.constant 9 : i32
    %jit3A_2 = arith.constant 8 : i32
    %select_n3A = arith.select %lt3A_1, %jit3A, %jit3A_2 : i32
    %lt3A_3 = arith.constant 4 : i32
    %lt3A_4 = arith.cmpi slt, %add3A, %lt3A_3 : i32
    %mul3A_5 = arith.constant 9 : i32
    %mul3A_6 = arith.muli %add3A, %mul3A_5 : i32
    %sub3A = arith.constant 4 : i32
    %sub3A_7 = arith.subi %add3A, %sub3A : i32
    %mul3A_8 = arith.constant 8 : i32
    %mul3A_9 = arith.muli %sub3A_7, %mul3A_8 : i32
    %add3A_10 = arith.constant 36 : i32
    %add3A_11 = arith.addi %add3A_10, %mul3A_9 : i32
    %select_n3A_12 = arith.select %lt3A_4, %mul3A_6, %add3A_11 : i32
    %while3A = arith.constant 0 : i32
    %while3A_13 = arith.constant 0 : i32
    %while3A_14 = arith.subi %select_n3A, %while3A : i32
    %while3A_15 = arith.addi %while3A, %while3A_14 : i32
    %while3A_16 = arith.constant 1 : i32
    %while3A_17 = arith.divsi %while3A_14, %while3A_16 : i32
    %while3A_18 = arith.muli %while3A_17, %while3A_16 : i32
    %while3A_19 = arith.addi %while3A, %while3A_18 : i32
    %while3A_20 = arith.constant 1 : i32
    %while3A_21 = scf.for %while3A_24 = %while3A to %while3A_19 step %while3A_20 iter_args(%while3A_25 = %while3A_13) -> (i32)  : i32 {
      %add3A_26 = arith.addi %select_n3A_12, %while3A_24 : i32
      %jit3A_27 = arith.constant 26 : i32
      %div3A = arith.divsi %add3A_26, %jit3A_27 : i32
      %sign3A = arith.constant 0 : i32
      %sign3A_28 = arith.cmpi sgt, %add3A_26, %sign3A : i32
      %sign3A_29 = arith.extui %sign3A_28 : i1 to i32
      %sign3A_30 = arith.constant 0 : i32
      %sign3A_31 = arith.cmpi slt, %add3A_26, %sign3A_30 : i32
      %sign3A_32 = arith.extui %sign3A_31 : i1 to i32
      %sign3A_33 = arith.subi %sign3A_29, %sign3A_32 : i32
      %sign3A_34 = arith.constant 0 : i32
      %sign3A_35 = arith.cmpi sgt, %jit3A_27, %sign3A_34 : i32
      %sign3A_36 = arith.extui %sign3A_35 : i1 to i32
      %sign3A_37 = arith.constant 0 : i32
      %sign3A_38 = arith.cmpi slt, %jit3A_27, %sign3A_37 : i32
      %sign3A_39 = arith.extui %sign3A_38 : i1 to i32
      %sign3A_40 = arith.subi %sign3A_36, %sign3A_39 : i32
      %ne3A = arith.cmpi ne, %sign3A_33, %sign3A_40 : i32
      %rem3A = arith.remsi %add3A_26, %jit3A_27 : i32
      %ne3A_41 = arith.constant 0 : i32
      %ne3A_42 = arith.cmpi ne, %rem3A, %ne3A_41 : i32
      %and3A = arith.andi %ne3A, %ne3A_42 : i1
      %sub3A_43 = arith.constant 1 : i32
      %sub3A_44 = arith.subi %div3A, %sub3A_43 : i32
      %select_n3A_45 = arith.select %and3A, %sub3A_44, %div3A : i32
      %jit3A_46 = arith.constant 26 : i32
      %eq3A = arith.constant 0 : i32
      %eq3A_47 = arith.cmpi eq, %jit3A_46, %eq3A : i32
      %jit3A_48 = arith.constant 1 : i32
      %select_n3A_49 = arith.select %eq3A_47, %jit3A_48, %jit3A_46 : i32
      %rem3A_50 = arith.remsi %add3A_26, %select_n3A_49 : i32
      %ne3A_51 = arith.constant 0 : i32
      %ne3A_52 = arith.cmpi ne, %rem3A_50, %ne3A_51 : i32
      %lt3A_53 = arith.constant 0 : i32
      %lt3A_54 = arith.cmpi slt, %rem3A_50, %lt3A_53 : i32
      %lt3A_55 = arith.constant 0 : i32
      %lt3A_56 = arith.cmpi slt, %select_n3A_49, %lt3A_55 : i32
      %ne3A_57 = arith.xori %lt3A_54, %lt3A_56 : i1
      %and3A_58 = arith.andi %ne3A_57, %ne3A_52 : i1
      %add3A_59 = arith.addi %rem3A_50, %select_n3A_49 : i32
      %select_n3A_60 = arith.select %and3A_58, %add3A_59, %rem3A_50 : i32
      %dma_start3A = arith.constant 0 : i32
      %dma_start3A_61 = tpu.memref_slice %arg2[%select_n3A_45, %select_n3A_60, %dma_start3A] : memref<10x26x100000xf32, #tpu.memory_space<hbm>> -> memref<1x1x100000xf32, #tpu.memory_space<hbm>>
      %dma_start3A_62 = tpu.memref_squeeze %dma_start3A_61 : memref<1x1x100000xf32, #tpu.memory_space<hbm>> -> memref<100000xf32, #tpu.memory_space<hbm>>
      %dma_start3A_63 = arith.constant 0 : i32
      %dma_start3A_64 = tpu.memref_slice %arg2[%select_n3A_45, %select_n3A_60, %dma_start3A_63] : memref<10x26x100000xf32, #tpu.memory_space<hbm>> -> memref<1x1x100000xf32, #tpu.memory_space<hbm>>
      %dma_start3A_65 = tpu.memref_squeeze %dma_start3A_64 : memref<1x1x100000xf32, #tpu.memory_space<hbm>> -> memref<100000xf32, #tpu.memory_space<hbm>>
      tpu.enqueue_dma source(%dma_start3A_65 : memref<100000xf32, #tpu.memory_space<hbm>>) target(%arg4 : memref<100000xf32, #tpu.memory_space<vmem>>) target_semaphore(%arg5 : memref<!tpu.dma_semaphore, #tpu.memory_space<semaphore_mem>>)
      %dma_wait3A = arith.constant 0 : i32
      %dma_wait3A_66 = tpu.memref_slice %arg2[%select_n3A_45, %select_n3A_60, %dma_wait3A] : memref<10x26x100000xf32, #tpu.memory_space<hbm>> -> memref<1x1x100000xf32, #tpu.memory_space<hbm>>
      %dma_wait3A_67 = tpu.memref_squeeze %dma_wait3A_66 : memref<1x1x100000xf32, #tpu.memory_space<hbm>> -> memref<100000xf32, #tpu.memory_space<hbm>>
      %dma_wait3A_68 = arith.constant 0 : i32
      %dma_wait3A_69 = tpu.memref_slice %arg2[%select_n3A_45, %select_n3A_60, %dma_wait3A_68] : memref<10x26x100000xf32, #tpu.memory_space<hbm>> -> memref<1x1x100000xf32, #tpu.memory_space<hbm>>
      %dma_wait3A_70 = tpu.memref_squeeze %dma_wait3A_69 : memref<1x1x100000xf32, #tpu.memory_space<hbm>> -> memref<100000xf32, #tpu.memory_space<hbm>>
      tpu.wait_dma2 semaphore(%arg5 : memref<!tpu.dma_semaphore, #tpu.memory_space<semaphore_mem>>) src(%dma_wait3A_70 : memref<100000xf32, #tpu.memory_space<hbm>>) dst(%arg4 : memref<100000xf32, #tpu.memory_space<vmem>>)
      %mul3A_71 = arith.constant 2600000 : i32
      %mul3A_72 = arith.muli %select_n3A_45, %mul3A_71 : i32
      %mul3A_73 = arith.constant 100000 : i32
      %mul3A_74 = arith.muli %select_n3A_60, %mul3A_73 : i32
      %add3A_75 = arith.addi %mul3A_72, %mul3A_74 : i32
      "tpu.region"() ({
        %run_scoped3A = tpu.sem_alloc : memref<!tpu.dma_semaphore, #tpu.memory_space<semaphore_mem>>
        %dma_start3A_77 = tpu.memref_slice %arg3[%add3A_75] : memref<26000000xf32, #tpu.memory_space<hbm>> -> memref<100000xf32, #tpu.memory_space<hbm>>
        %dma_start3A_78 = tpu.memref_slice %arg3[%add3A_75] : memref<26000000xf32, #tpu.memory_space<hbm>> -> memref<100000xf32, #tpu.memory_space<hbm>>
        tpu.enqueue_dma source(%arg4 : memref<100000xf32, #tpu.memory_space<vmem>>) target(%dma_start3A_78 : memref<100000xf32, #tpu.memory_space<hbm>>) target_semaphore(%run_scoped3A : memref<!tpu.dma_semaphore, #tpu.memory_space<semaphore_mem>>)
        %dma_wait3A_79 = tpu.memref_slice %arg3[%add3A_75] : memref<26000000xf32, #tpu.memory_space<hbm>> -> memref<100000xf32, #tpu.memory_space<hbm>>
        %dma_wait3A_80 = tpu.memref_slice %arg3[%add3A_75] : memref<26000000xf32, #tpu.memory_space<hbm>> -> memref<100000xf32, #tpu.memory_space<hbm>>
        tpu.wait_dma2 semaphore(%run_scoped3A : memref<!tpu.dma_semaphore, #tpu.memory_space<semaphore_mem>>) src(%arg4 : memref<100000xf32, #tpu.memory_space<vmem>>) dst(%dma_wait3A_80 : memref<100000xf32, #tpu.memory_space<hbm>>)
        tpu.yield
      }) : () -> ()
      %while3A_76 = arith.constant 0 : i32
      scf.yield %while3A_76 : i32
    }
    %while3A_22 = arith.constant 1 : i32
    %while3A_23 = scf.for %while3A_24 = %while3A_19 to %while3A_15 step %while3A_22 iter_args(%while3A_25 = %while3A_21) -> (i32)  : i32 {
      %add3A_26 = arith.addi %select_n3A_12, %while3A_24 : i32
      %jit3A_27 = arith.constant 26 : i32
      %div3A = arith.divsi %add3A_26, %jit3A_27 : i32
      %sign3A = arith.constant 0 : i32
      %sign3A_28 = arith.cmpi sgt, %add3A_26, %sign3A : i32
      %sign3A_29 = arith.extui %sign3A_28 : i1 to i32
      %sign3A_30 = arith.constant 0 : i32
      %sign3A_31 = arith.cmpi slt, %add3A_26, %sign3A_30 : i32
      %sign3A_32 = arith.extui %sign3A_31 : i1 to i32
      %sign3A_33 = arith.subi %sign3A_29, %sign3A_32 : i32
      %sign3A_34 = arith.constant 0 : i32
      %sign3A_35 = arith.cmpi sgt, %jit3A_27, %sign3A_34 : i32
      %sign3A_36 = arith.extui %sign3A_35 : i1 to i32
      %sign3A_37 = arith.constant 0 : i32
      %sign3A_38 = arith.cmpi slt, %jit3A_27, %sign3A_37 : i32
      %sign3A_39 = arith.extui %sign3A_38 : i1 to i32
      %sign3A_40 = arith.subi %sign3A_36, %sign3A_39 : i32
      %ne3A = arith.cmpi ne, %sign3A_33, %sign3A_40 : i32
      %rem3A = arith.remsi %add3A_26, %jit3A_27 : i32
      %ne3A_41 = arith.constant 0 : i32
      %ne3A_42 = arith.cmpi ne, %rem3A, %ne3A_41 : i32
      %and3A = arith.andi %ne3A, %ne3A_42 : i1
      %sub3A_43 = arith.constant 1 : i32
      %sub3A_44 = arith.subi %div3A, %sub3A_43 : i32
      %select_n3A_45 = arith.select %and3A, %sub3A_44, %div3A : i32
      %jit3A_46 = arith.constant 26 : i32
      %eq3A = arith.constant 0 : i32
      %eq3A_47 = arith.cmpi eq, %jit3A_46, %eq3A : i32
      %jit3A_48 = arith.constant 1 : i32
      %select_n3A_49 = arith.select %eq3A_47, %jit3A_48, %jit3A_46 : i32
      %rem3A_50 = arith.remsi %add3A_26, %select_n3A_49 : i32
      %ne3A_51 = arith.constant 0 : i32
      %ne3A_52 = arith.cmpi ne, %rem3A_50, %ne3A_51 : i32
      %lt3A_53 = arith.constant 0 : i32
      %lt3A_54 = arith.cmpi slt, %rem3A_50, %lt3A_53 : i32
      %lt3A_55 = arith.constant 0 : i32
      %lt3A_56 = arith.cmpi slt, %select_n3A_49, %lt3A_55 : i32
      %ne3A_57 = arith.xori %lt3A_54, %lt3A_56 : i1
      %and3A_58 = arith.andi %ne3A_57, %ne3A_52 : i1
      %add3A_59 = arith.addi %rem3A_50, %select_n3A_49 : i32
      %select_n3A_60 = arith.select %and3A_58, %add3A_59, %rem3A_50 : i32
      %dma_start3A = arith.constant 0 : i32
      %dma_start3A_61 = tpu.memref_slice %arg2[%select_n3A_45, %select_n3A_60, %dma_start3A] : memref<10x26x100000xf32, #tpu.memory_space<hbm>> -> memref<1x1x100000xf32, #tpu.memory_space<hbm>>
      %dma_start3A_62 = tpu.memref_squeeze %dma_start3A_61 : memref<1x1x100000xf32, #tpu.memory_space<hbm>> -> memref<100000xf32, #tpu.memory_space<hbm>>
      %dma_start3A_63 = arith.constant 0 : i32
      %dma_start3A_64 = tpu.memref_slice %arg2[%select_n3A_45, %select_n3A_60, %dma_start3A_63] : memref<10x26x100000xf32, #tpu.memory_space<hbm>> -> memref<1x1x100000xf32, #tpu.memory_space<hbm>>
      %dma_start3A_65 = tpu.memref_squeeze %dma_start3A_64 : memref<1x1x100000xf32, #tpu.memory_space<hbm>> -> memref<100000xf32, #tpu.memory_space<hbm>>
      tpu.enqueue_dma source(%dma_start3A_65 : memref<100000xf32, #tpu.memory_space<hbm>>) target(%arg4 : memref<100000xf32, #tpu.memory_space<vmem>>) target_semaphore(%arg5 : memref<!tpu.dma_semaphore, #tpu.memory_space<semaphore_mem>>)
      %dma_wait3A = arith.constant 0 : i32
      %dma_wait3A_66 = tpu.memref_slice %arg2[%select_n3A_45, %select_n3A_60, %dma_wait3A] : memref<10x26x100000xf32, #tpu.memory_space<hbm>> -> memref<1x1x100000xf32, #tpu.memory_space<hbm>>
      %dma_wait3A_67 = tpu.memref_squeeze %dma_wait3A_66 : memref<1x1x100000xf32, #tpu.memory_space<hbm>> -> memref<100000xf32, #tpu.memory_space<hbm>>
      %dma_wait3A_68 = arith.constant 0 : i32
      %dma_wait3A_69 = tpu.memref_slice %arg2[%select_n3A_45, %select_n3A_60, %dma_wait3A_68] : memref<10x26x100000xf32, #tpu.memory_space<hbm>> -> memref<1x1x100000xf32, #tpu.memory_space<hbm>>
      %dma_wait3A_70 = tpu.memref_squeeze %dma_wait3A_69 : memref<1x1x100000xf32, #tpu.memory_space<hbm>> -> memref<100000xf32, #tpu.memory_space<hbm>>
      tpu.wait_dma2 semaphore(%arg5 : memref<!tpu.dma_semaphore, #tpu.memory_space<semaphore_mem>>) src(%dma_wait3A_70 : memref<100000xf32, #tpu.memory_space<hbm>>) dst(%arg4 : memref<100000xf32, #tpu.memory_space<vmem>>)
      %mul3A_71 = arith.constant 2600000 : i32
      %mul3A_72 = arith.muli %select_n3A_45, %mul3A_71 : i32
      %mul3A_73 = arith.constant 100000 : i32
      %mul3A_74 = arith.muli %select_n3A_60, %mul3A_73 : i32
      %add3A_75 = arith.addi %mul3A_72, %mul3A_74 : i32
      "tpu.region"() ({
        %run_scoped3A = tpu.sem_alloc : memref<!tpu.dma_semaphore, #tpu.memory_space<semaphore_mem>>
        %dma_start3A_77 = tpu.memref_slice %arg3[%add3A_75] : memref<26000000xf32, #tpu.memory_space<hbm>> -> memref<100000xf32, #tpu.memory_space<hbm>>
        %dma_start3A_78 = tpu.memref_slice %arg3[%add3A_75] : memref<26000000xf32, #tpu.memory_space<hbm>> -> memref<100000xf32, #tpu.memory_space<hbm>>
        tpu.enqueue_dma source(%arg4 : memref<100000xf32, #tpu.memory_space<vmem>>) target(%dma_start3A_78 : memref<100000xf32, #tpu.memory_space<hbm>>) target_semaphore(%run_scoped3A : memref<!tpu.dma_semaphore, #tpu.memory_space<semaphore_mem>>)
        %dma_wait3A_79 = tpu.memref_slice %arg3[%add3A_75] : memref<26000000xf32, #tpu.memory_space<hbm>> -> memref<100000xf32, #tpu.memory_space<hbm>>
        %dma_wait3A_80 = tpu.memref_slice %arg3[%add3A_75] : memref<26000000xf32, #tpu.memory_space<hbm>> -> memref<100000xf32, #tpu.memory_space<hbm>>
        tpu.wait_dma2 semaphore(%run_scoped3A : memref<!tpu.dma_semaphore, #tpu.memory_space<semaphore_mem>>) src(%arg4 : memref<100000xf32, #tpu.memory_space<vmem>>) dst(%dma_wait3A_80 : memref<100000xf32, #tpu.memory_space<hbm>>)
        tpu.yield
      }) : () -> ()
      %while3A_76 = arith.constant 0 : i32
      scf.yield %while3A_76 : i32
    }
    return
  }
}

</mosaic_0001>

<sc_bundles>
// kernel: _detile.3.cloned.1.call-start
scs
__scs_entry_jumppad:
0x0: {  	(pc) =	sbr.rel $0x88, $3  }
0x1: {  	(tag) =	ssettag $0x0;
	lr =	simm.s32 $0x1  }
0x2: {  	[smem:$0x3FA0] =	sst lr;
	_ =	strace $0xD0000000  }
0x3: {  	_ = 	snop  }
0x4: {  	_ = 	snop  }
0x5: {  	_ = 	snop  }
0x6: {  	_ = 	snop  }
0x7: {  	_ = 	snop  }
__scs_overlays_trampoline_lowered:
0x8: {  	[smem:$0x3FAF] =	sst s0  }
0x9: {  	[smem:$0x3FB0] =	sst s1  }
0xa: {  	[smem:$0x3FB1] =	sst s2  }
0xb: {  	[smem:$0x3FB2] =	sst s3  }
0xc: {  	[smem:$0x3FB3] =	sst s4  }
0xd: {  	[smem:$0x3FB4] =	sst s5  }
0xe: {  	[smem:$0x3FB5] =	sst s6  }
0xf: {  	[smem:$0x3FB6] =	sst s7  }
0x10: {  	[smem:$0x3FB7] =	sst s8  }
0x11: {  	[smem:$0x3FB8] =	sst s9;
	s0 =	simm.s32 @!p0 $0x0  }
0x12: {  	s1 =	sld [smem:$0x3F9E];
	s0 =	simm.s32 @p0 $0x1  }
0x13: {  	[smem:$0x3FB9] =	sst s0;
	s0 =	simm.s32 @!p1 $0x0  }
0x14: {  	s2 =	sld [smem:$0x3F9D];
	s0 =	simm.s32 @p1 $0x1  }
0x15: {  	[smem:$0x3FBA] =	sst s0;
	s0 =	simm.s32 @!p2 $0x0  }
0x16: {  	s3 =	sld [smem:$0x3FDB];
	s0 =	simm.s32 @p2 $0x1  }
0x17: {  	s4 =	simm.s32 $0x1BF5;
	[smem:$0x3FBC] =	sst s0  }
0x18: {  	s0 =	sld [smem:$0x3F9F];
	_ =	swait.ge [sflag:s4], $0x0  }
0x19: {  	s7 =	sld [smem:$0x3FA0]  }
0x1a: {  	s8 =	sadd.s32 $0xFFFFE003, lr  }
0x1b: {  	s9 =	sadd.s32 $0xFFFFFEF7, lr;
	s5 =	simm.s32 $0xFFFFFFFF;
	p2 =	slt.u32 s8, $0xFFFFF086  }
0x1c: {  	p1 =	slt.u32 s9, $0xF7A;
	s5 =	simm.s32 @!p2 $0x0  }
0x1d: {  	s5 =	simm.s32 @p1 $0x1;
	p0 =	seq.s32 s7, s2  }
0x1e: {  	s7 =	smul.u32 @!p0 $0xF7A, s2;
	p2 =	seq.s32 @!p0 s5, $0x0  }
0x1f: {  	s9 =	smul.u32 $0xF7A, s1;
	s8 =	simm.s32 @!p0 $0x1BF5;
	p2 =	por !p2, p0  }
0x20: {  	[sflag:s8] =	ssyncset.s32 @!p0 $0xFFFFF086;
	s6 =	sadd.s32 @!p0 s3, s7;
	s7 =	simm.s32 @!p0 $0x108  }
0x21: {  	s3 =	sadd.s32 s3, s9;
	s6 =	sadd.s32 @!p0 $0x88, s6;
	s7 =	simm.s32 @p2 $0x1082  }
0x22: {  	[simem:s7], [sflag:s8] =	dma.local @!p0 [hbm:s6], $0xF7A  }
0x23: {  	s9 =	sor.u32 $0xD0000000, s2;
	s6 =	simm.s32 $0x108;
	_ =	swait.ge @!p0 [sflag:s8], $0x0  }
0x24: {  	s3 =	sadd.s32 $0x88, s3;
	s6 =	simm.s32 @!p1 $0x1082;
	[sflag:s4] =	ssyncset.s32 $0xFFFFF086  }
0x25: {  	[simem:s6], [sflag:s4] =	dma.local [hbm:s3], $0xF7A  }
0x26: {  	[smem:$0x3FA0] =	sst s1;
	(tag) =	ssettag s2;
	_ =	strace s9  }
0x27: {  	s1 =	sld [smem:$0x3FB0]  }
0x28: {  	s2 =	sld [smem:$0x3FB1]  }
0x29: {  	s4 =	sld [smem:$0x3FB3]  }
0x2a: {  	p0 =	seq.s32 s5, $0x0;
	s5 =	sld [smem:$0x3FB4]  }
0x2b: {  	s6 =	sld [smem:$0x3FB5]  }
0x2c: {  	s7 =	sld [smem:$0x3FB6]  }
0x2d: {  	s3 =	simm.s32 $0x108;
	s8 =	sld [smem:$0x3FB7]  }
0x2e: {  	s3 =	simm.s32 @!p0 $0x1082;
	s9 =	sld [smem:$0x3FB8]  }
0x2f: {  	lr =	sadd.s32 s0, s3;
	s0 =	sld [smem:$0x3FAF]  }
0x30: {  	s3 =	sld [smem:$0x3FB2]  }
0x31: {  	[smem:$0x3FBB] =	sst s10  }
0x32: {  	s10 =	sld [smem:$0x3FB9];
	_ =	sdelay $0x3  }
0x33: {  	p0 =	seq.s32 s10, $0x1;
	s10 =	sld [smem:$0x3FBB];
	_ =	sdelay $0x3  }
0x34: {  	[smem:$0x3FBB] =	sst s10  }
0x35: {  	s10 =	sld [smem:$0x3FBA];
	_ =	sdelay $0x3  }
0x36: {  	p1 =	seq.s32 s10, $0x1;
	s10 =	sld [smem:$0x3FBB];
	_ =	sdelay $0x3  }
0x37: {  	[smem:$0x3FBB] =	sst s10  }
0x38: {  	s10 =	sld [smem:$0x3FBC]  }
0x39: {  	_ = 	snop;
	(pc) =	sbr.ind lr, $3  }
0x3a: {  	_ = 	snop  }
0x3b: {  	_ = 	snop  }
0x3c: {  	p2 =	seq.s32 s10, $0x1;
	s10 =	sld [smem:$0x3FBB]  }
0x3d: {  	_ =	shalt  }
0x3e: {  	_ =	shalt  }
0x3f: {  	_ =	shalt  }
0x40: {  	_ =	shalt  }
0x41: {  	_ =	shalt  }
0x42: {  	_ =	shalt  }
0x43: {  	_ =	shalt  }
0x44: {  	_ =	shalt  }
0x45: {  	_ =	shalt  }
0x46: {  	_ =	shalt  }
0x47: {  	_ =	shalt  }
0x48: {  	_ =	shalt  }
0x49: {  	_ =	shalt  }
0x4a: {  	_ =	shalt  }
0x4b: {  	_ =	shalt  }
0x4c: {  	_ =	shalt  }
0x4d: {  	_ =	shalt  }
0x4e: {  	_ =	shalt  }
0x4f: {  	_ =	shalt  }
0x50: {  	_ =	shalt  }
0x51: {  	_ =	shalt  }
0x52: {  	_ =	shalt  }
0x53: {  	_ =	shalt  }
0x54: {  	_ =	shalt  }
0x55: {  	_ =	shalt  }
0x56: {  	_ =	shalt  }
0x57: {  	_ =	shalt  }
0x58: {  	_ =	shalt  }
0x59: {  	_ =	shalt  }
0x5a: {  	_ =	shalt  }
0x5b: {  	_ =	shalt  }
0x5c: {  	_ =	shalt  }
0x5d: {  	_ =	shalt  }
0x5e: {  	_ =	shalt  }
0x5f: {  	_ =	shalt  }
0x60: {  	_ =	shalt  }
0x61: {  	_ =	shalt  }
0x62: {  	_ =	shalt  }
0x63: {  	_ =	shalt  }
0x64: {  	_ =	shalt  }
0x65: {  	_ =	shalt  }
0x66: {  	_ =	shalt  }
0x67: {  	_ =	shalt  }
0x68: {  	_ =	shalt  }
0x69: {  	_ =	shalt  }
0x6a: {  	_ =	shalt  }
0x6b: {  	_ =	shalt  }
0x6c: {  	_ =	shalt  }
0x6d: {  	_ =	shalt  }
0x6e: {  	_ =	shalt  }
0x6f: {  	_ =	shalt  }
0x70: {  	_ =	shalt  }
0x71: {  	_ =	shalt  }
0x72: {  	_ =	shalt  }
0x73: {  	_ =	shalt  }
0x74: {  	_ =	shalt  }
0x75: {  	_ =	shalt  }
0x76: {  	_ =	shalt  }
0x77: {  	_ =	shalt  }
0x78: {  	_ =	shalt  }
0x79: {  	_ =	shalt  }
0x7a: {  	_ =	shalt  }
0x7b: {  	_ =	shalt  }
0x7c: {  	_ =	shalt  }
0x7d: {  	_ =	shalt  }
0x7e: {  	_ =	shalt  }
0x7f: {  	_ =	shalt  }
0x80: {  	_ =	shalt  }
0x81: {  	_ =	shalt  }
0x82: {  	_ =	shalt  }
0x83: {  	_ =	shalt  }
0x84: {  	_ =	shalt  }
0x85: {  	_ =	shalt  }
0x86: {  	_ =	shalt  }
0x87: {  	_ =	shalt  }
.Lfunc_end0:
.L_simem_size_0:
called_computation_lowered:
.L_overlay_start_0:
0x88: {  	s2 =	sld [smem:$0x3FD9]  }
0x89: {  	s3 =	sld [smem:$0x3FFE];
	_ =	sdelay $0x1  }
0x8a: {  	s1 =	srdreg.scid  }
0x8b: {  	s0 =	sand.u32 $0x1, s1  }
0x8c: {  	s18 =	sshll.u32 s0, $0xA;
	s2 =	sadd.s32 s3, s2  }
0x8d: {  	s2 =	sadd.s32 s2, s18  }
0x8e: {  	[smem:$0x3FC7] =	sst s2  }
0x8f: {  	_ = 	snop  }
0x90: {  	s2 =	sld [smem:$0x3FC9]  }
0x91: {  	s19 =	sld [smem:$0x3FD0];
	(tm) =	ssettm $0x1  }
0x92: {  	s4 =	sld [smem:$0x3FFB];
	_ =	sdelay $0x3  }
0x93: {  	_ =	strace s4  }
0x94: {  	s4 =	sld [smem:$0x3FFC];
	_ =	sdelay $0x3  }
0x95: {  	_ =	strace s4  }
0x96: {  	s4 =	sld [smem:$0x3FFD];
	_ =	sdelay $0x3  }
0x97: {  	_ =	strace s4  }
0x98: {  	_ =	strace $0x8FFFFFFF  }
0x99: {  	s20 =	sld [smem:$0x3FDB];
	_ =	sdelay $0x1  }
0x9a: {  	s5 =	simm.s32 $_scs_section_size  }
0x9b: {  	s6 =	simm.s32 $_size__tile_overlayer_lowered;
	s7 =	simm.s32 $_tile_overlayer_lowered  }
0x9c: {  	s23 =	simm.s32 $0x1BFF;
	s22 =	sshll.u32 s7, $0x1;
	s4 =	sadd.s32 s5, s20  }
0x9d: {  	s8 =	simm.s32 $0x0;
	s21 =	sshll.u32 s6, $0x1;
	s6 =	sadd.s32 s22, s4  }
0x9e: {  	[timem:s8], [sflag:s23] =	dma.local [hbm:s6], s21  }
0x9f: {  	_ =	swait.ge [sflag:s23], s21  }
0xa0: {  	s5 =	ssub.s32 $0x0, s21;
	[sflag:s23] =	ssyncset.done $0x0  }
0xa1: {  	[sflag:s23] =	ssyncadd.s32 s5;
	_ =	sdelay $0x1  }
0xa2: {  	s24 =	simm.s32 $0x1B8B  }
0xa3: {  	_ =	swait.ge [sflag:s24], $0x1  }
0xa4: {  	[sflag:s24] =	ssyncset.done $0x0  }
0xa5: {  	s25 =	simm.s32 $0x1B8E;
	[sflag:s24] =	ssyncadd.s32 $0xFFFFFFFF  }
0xa6: {  	s26 =	simm.s32 $execute0_lowered;
	[smem:$0x3FD2] =	sst s25  }
0xa7: {  	s5 =	sshll.u32 s26, $0x1;
	_ =	strace $0x80000046;
	[dreg:$0x1] =	wrdreg $0xFFFFFFFF  }
0xa8: {  	s28 =	simm.s32 $_size_execute0_lowered;
	s4 =	sadd.s32 s4, s5;
	[dreg:$0x0] =	wrdreg $0x0  }
0xa9: {  	s5 =	sshll.u32 s28, $0x1;
	[dreg:$0x2] =	wrdreg s4  }
0xaa: {  	[dreg:$0x3] =	wrdreg s5  }
0xab: {  	[dreg:$0x4] =	wrdreg $0xC0  }
0xac: {  	_ =	task [dreg:s8], $0x5FFFF  }
0xad: {  	[dreg:$0x1] =	wrdreg $0xFFFFFFFF  }
0xae: {  	[dreg:$0x0] =	wrdreg $0x60  }
0xaf: {  	[dreg:$0x2] =	wrdreg s2  }
0xb0: {  	[dreg:$0x3] =	wrdreg s19  }
0xb1: {  	[dreg:$0x4] =	wrdreg $0x9  }
0xb2: {  	_ =	task.clear_ibuf [dreg:s8], $0x5FFFF;
	_ =	strace $0x90000046  }
0xb3: {  	s29 =	simm.s32 $0x9;
	_ =	strace $0x80000048  }
0xb4: {  	_ =	swait.ge [sflag:s29], $0x1  }
0xb5: {  	[sflag:s29] =	ssyncadd.s32 $0xFFFFFFFF  }
0xb6: {  	_ =	strace $0x90000048  }
0xb7: {  	_ =	sfence  }
0xb8: {  	s30 =	sld [smem:$0x0];
	_ =	sdelay $0x2  }
0xb9: {  	s31 =	sshll.u32 s1, $0xD;
	s1 =	sshrl.u32 s1, $0x2  }
0xba: {  	s3 =	sand.u32 $0x4000, s31;
	s1 =	sadd.s32 s1, s30  }
0xbb: {  	s0 =	sor.u32 s3, s0;
	s1 =	sshll.u32 s1, $0x11  }
0xbc: {  	s0 =	sor.u32 s1, s0  }
0xbd: {  	s0 =	sadd.s32 $0x8F2B, s0  }
0xbe: {  	[sflag:s0] =	ssyncadd.remote.s32 $0x1  }
0xbf: {  	_ =	sfence.sel $0xFFFF  }
0xc0: {  	[dreg:$0x0] =	wrdreg $0xFFFFFFFF;
	(pc) =	sbr.abs _section_cstart, $3  }
0xc1: {  	[dreg:$0x1] =	wrdreg $0xFFFFFFFF  }
0xc2: {  	_ =	task.clear_ibuf [dreg:s8], $0x2FFFF;
	_ =	strace $0x9FFFFFFF  }
0xc3: {  	(tm) =	ssettm $0x7FFFFFFF  }
tec
execute0_lowered:
.L_overlay_start_1:
0x0: {  	(tag) =	ssettag $0x1  }
0x1: {  	s1 =	srdreg.scid  }
0x2: {  	s0 =	stileid.u32;
	s2 =	rddreg [dreg:$0x0]  }
0x3: {  	s7 =	rddreg [dreg:$0x1];
	s4 =	simm.s32 $0x0;
	s9 =	simm.s32 $0x80  }
0x4: {  	s10 =	simm.s32 $0x400;
	s5 =	sand.u32 $0x1, s1;
	s30 =	sshll.u32 s0, $0x1  }
0x5: {  	s11 =	simm.s32 $0x1;
	s12 =	simm.s32 $0x2;
	s1 =	sor.u32 s5, s30  }
0x6: {  	s13 =	simm.s32 $0x0;
	s6 =	smul.u32 $0x9, s1;
	s3 =	sshll.u32 s1, $0x3  }
0x7: {  	p0 =	slt.u32 s0, $0x2;
	s5 =	ssub.s32 $0x2, s5;
	s3 =	sor.u32 $0x4, s3  }
0x8: {  	[smem:$0x7FF] =	sst s4;
	s31 =	sshrl.u32 s5, $0x1;
	s3 =	smov.u32 @p0 s6  }
0x9: {  	s6 =	ssub.s32 s5, s31;
	s5 =	simm.s32 $0x9;
	s8 =	smul.u32 $0x30D4, s3  }
0xa: {  	s1 =	rddreg [dreg:$0x2];
	_ =	strace $0x80000047;
	s5 =	simm.s32 @!p0 $0x8  }
0xb: {  	s6 =	smax.u32 s6, $0x1;
	s7 =	sadd.s32 s8, s7;
	s8 =	sshll.u32 s3, $0x7  }
.LBB2_1:
0xc: {  	s14 =	smulhi.u32 $0x4EC4EC4F, s3;
	_ =	sdelay $0x1  }
0xd: {  	s15 =	sshrl.u32 s14, $0x3  }
0xe: {  	p1 =	sne.s32 s5, $0x1;
	s14 =	smul.u32 $0x1A, s15  }
.Ltmp0:
0xf: {  	_ = 	snop;
	(pc) =	sbr.rel @!p1 .LBB2_2-.Ltmp0, $4  }
0x10: {  	_ = 	snop  }
0x11: {  	s16 =	smul.u32 $0xD00, s15;
	s17 =	ssub.s32 s3, s14  }
0x12: {  	p0 =	por $0x0, $0x0;
	s19 =	smul.u32 $0x30E000, s15;
	s31 =	sshrl.u32 s17, $0x3  }
0x13: {  	s14 =	sadd.s32 $0xFFFFFFFF, s5;
	s18 =	ssub.s32 s8, s16;
	s21 =	smul.u32 $0xC3800, s31  }
0x14: {  	_ = 	snop  }
0x15: {  	s16 =	sand.u32 $0x380, s18;
	s15 =	sadd.s32 s19, s21  }
0x16: {  	s15 =	sor.u32 s16, s15  }
0x17: {  	s16 =	sshrl.u32 s15, $0x3;
	s15 =	sadd.s32 $0x1, s3  }
0x18: {  	s17 =	smulhi.u32 $0x4EC4EC4F, s15;
	s16 =	sadd.s32 s2, s16  }
0x19: {  	[tilespmem:s4], [sflag:$0x1] =	stream.strided.gather [hbm4b:s16+s9], $0x18700, s10, s9, $0x38;
	[tilespmem:$0x18700] =	vst v63  }
0x1a: {  	s29 =	sshrl.u32 s17, $0x3  }
0x1b: {  	p1 =	sne.s32 s14, $0x1;
	s17 =	smul.u32 $0x1A, s29  }
.Ltmp1:
0x1c: {  	p0 =	por $0x1, $0x1;
	s16 =	sadd.s32 $0xFFFFFFFF, s14;
	(pc) =	sbr.rel @!p1 .LBB2_4-.Ltmp1, $4  }
0x1d: {  	s14 =	sadd.s32 $0x30D4, s7;
	_ =	swait.ge [sflag:s11], $0x18700;
	s30 =	smul.u32 $0xD00, s29  }
0x1e: {  	[sflag:s11] =	ssyncset.done $0x0;
	s19 =	smul.u32 $0x30E000, s29;
	s20 =	ssub.s32 s15, s17  }
0x1f: {  	[sflag:s11] =	ssyncadd.s32 $0xFFFE7900;
	s17 =	sadd.s32 $0x80, s8;
	s31 =	sshrl.u32 s20, $0x3  }
0x20: {  	s18 =	ssub.s32 s17, s30;
	s20 =	smov.u32 s7;
	s21 =	smul.u32 $0xC3800, s31  }
.LBB2_5:
0x21: {  	[hbm4b:s20+s4] =	stream.linear.scatter [tilespmem:s4], [sflag:$0x2], $0x186A0, $0x38;
	[tilespmem:$0x18700] =	vst v63  }
0x22: {  	s18 =	sand.u32 $0x380, s18;
	p1 =	sne.s32 s16, $0x1  }
0x23: {  	s15 =	sadd.s32 $0x1, s15;
	s19 =	sadd.s32 s19, s21;
	_ =	swait.ge [sflag:s12], $0x186A0  }
0x24: {  	s18 =	sor.u32 s18, s19;
	[sflag:s12] =	ssyncset.done $0x0;
	s19 =	smulhi.u32 $0x4EC4EC4F, s15  }
0x25: {  	s18 =	sshrl.u32 s18, $0x3;
	[sflag:s12] =	ssyncadd.s32 $0xFFFE7960  }
0x26: {  	s16 =	sadd.s32 $0xFFFFFFFF, s16;
	s18 =	sadd.s32 s2, s18;
	s19 =	sshrl.u32 s19, $0x3  }
0x27: {  	[tilespmem:s4], [sflag:$0x1] =	stream.strided.gather [hbm4b:s18+s9], $0x18700, s10, s9, $0x38;
	[tilespmem:$0x18700] =	vst v63  }
0x28: {  	s20 =	smov.u32 s14;
	s18 =	smul.u32 $0x1A, s19;
	_ =	swait.ge [sflag:s11], $0x18700  }
.Ltmp2:
0x29: {  	[sflag:s11] =	ssyncset.done $0x0;
	(pc) =	sbr.rel @p1 .LBB2_5-.Ltmp2, $4  }
0x2a: {  	s21 =	smul.u32 $0xD00, s19;
	[sflag:s11] =	ssyncadd.s32 $0xFFFE7900  }
0x2b: {  	s17 =	sadd.s32 $0x80, s17;
	s22 =	ssub.s32 s15, s18  }
0x2c: {  	s19 =	smul.u32 $0x30E000, s19;
	s18 =	ssub.s32 s17, s21;
	s21 =	sshrl.u32 s22, $0x3  }
0x2d: {  	s14 =	sadd.s32 $0x30D4, s14;
	s21 =	smul.u32 $0xC3800, s21  }
.LBB2_6:
0x2e: {  	[hbm4b:s20+s4] =	stream.linear.scatter @p0 [tilespmem:s4], [sflag:$0x2], $0x186A0, $0x38;
	[tilespmem:$0x18700] =	vst v63  }
0x2f: {  	s16 =	sand.u32 $0x380, s18;
	s15 =	sadd.s32 s19, s21  }
0x30: {  	_ =	swait.ge @p0 [sflag:s12], $0x186A0;
	s15 =	sor.u32 s16, s15  }
0x31: {  	[sflag:s12] =	ssyncset.done @p0 $0x0;
	s15 =	sshrl.u32 s15, $0x3  }
0x32: {  	[sflag:s12] =	ssyncadd.s32 @p0 $0xFFFE7960;
	s15 =	sadd.s32 s2, s15  }
0x33: {  	[tilespmem:s4], [sflag:$0x1] =	stream.strided.gather [hbm4b:s15+s9], $0x18700, s10, s9, $0x38;
	[tilespmem:$0x18700] =	vst v63  }
0x34: {  	_ =	swait.ge [sflag:s11], $0x18700  }
0x35: {  	s13 =	sadd.s32 $0x1, s13;
	[sflag:s11] =	ssyncset.done $0x0  }
0x36: {  	p0 =	sne.s32 s13, s6;
	[sflag:s11] =	ssyncadd.s32 $0xFFFE7900  }
0x37: {  	[hbm4b:s14+s4] =	stream.linear.scatter [tilespmem:s4], [sflag:$0x2], $0x186A0, $0x38;
	[tilespmem:$0x18700] =	vst v63  }
.Ltmp3:
0x38: {  	_ = 	snop;
	(pc) =	sbr.rel @p0 .LBB2_1-.Ltmp3, $4  }
.Ltmp4:
0x39: {  	_ = 	snop;
	(pc) =	sbr.rel @!p0 .LBB2_7-.Ltmp4, $4  }
0x3a: {  	_ =	swait.ge [sflag:s12], $0x186A0  }
0x3b: {  	[sflag:s12] =	ssyncset.done $0x0  }
0x3c: {  	[sflag:s12] =	ssyncadd.s32 $0xFFFE7960  }
0x3d: {  	_ = 	snop  }
.LBB2_2:
.Ltmp5:
0x3e: {  	(pc) =	sbr.rel .LBB2_6-.Ltmp5, $2  }
0x3f: {  	_ =	sdelay $0x2  }
0x40: {  	s14 =	smov.u32 s7  }
.LBB2_4:
.Ltmp6:
0x41: {  	(pc) =	sbr.rel .LBB2_6-.Ltmp6, $2  }
0x42: {  	_ =	sdelay $0x2  }
0x43: {  	s20 =	smov.u32 s7  }
.LBB2_7:
0x44: {  	_ =	sfence.sel $0x180000  }
0x45: {  	[bflag:$0x0] =	sbarrier.arrive $0xFFFF  }
0x46: {  	p0 =	sne.s32 s0, $0x0;
	_ =	strace $0x90000047  }
0x47: {  	s0 =	sadd.s32 @!p0 $0x100000, s1;
	[bflag:$0x2] =	sbarrier.arrive $0xFFFF  }
0x48: {  	[sflag:s0] =	ssyncadd.tile.s32 @!p0 $0x1;
	_ =	shalt  }
.Lfunc_end2:
_tile_overlayer_lowered:
.L_overlay_start_2:
0x49: {  	(tag) =	ssettag $0x2  }
0x4a: {  	s0 =	rddreg [dreg:$0x0];
	s2 =	stileid.u32  }
0x4b: {  	s1 =	rddreg [dreg:$0x1];
	p0 =	sne.s32 s2, $0x0  }
0x4c: {  	s3 =	rddreg [dreg:$0x2];
	[bflag:$0x3] =	sbarrier.arrive $0xFFFF;
	s2 =	simm.s32 @!p0 $0x1C02  }
0x4d: {  	[timem:s3], [sflag:s2] =	dma.local @!p0 [hbm:s0], s1  }
0x4e: {  	s0 =	simm.s32 @!p0 $0x2  }
0x4f: {  	_ =	swait.ge @!p0 [sflag:s0], s1  }
0x50: {  	s1 =	ssub.s32 @!p0 $0x0, s1;
	[sflag:s0] =	ssyncset.done @!p0 $0x0  }
0x51: {  	[sflag:s0] =	ssyncadd.s32 @!p0 s1  }
0x52: {  	[bflag:$0x3] =	sbarrier.arrive $0xFFFF  }
0x53: {  	_ =	shalt  }

</sc_bundles>
